<compile_context>
chip_gen: v7x
topology: tpu7x:2x2x1
jax: 0.10.2.dev20260603
libtpu: 0.0.44.dev20260713+nightly
codegen_flags: <defaults>
</compile_context>

<pallas_src>
import functools

import jax
import jax.numpy as jnp
from jax import lax
from jax.experimental import pallas as pl
from jax.experimental.pallas import tpu as pltpu
from jax.experimental.pallas import tpu_sc as plsc

_D = 128
_NC = 2
_NS = 16
_NW = _NC * _NS
_CHUNK = 128
_NBUF = 5


@functools.lru_cache(maxsize=None)
def _build(n_total):
    per_w = n_total // _NW
    nch = per_w // _CHUNK

    @functools.partial(
        pl.kernel,
        mesh=plsc.VectorSubcoreMesh(core_axis_name="c", subcore_axis_name="s"),
        out_type=jax.ShapeDtypeStruct((n_total, _D), jnp.float32),
        scratch_types=(
            [pltpu.VMEM((nch, _CHUNK), jnp.int32)]
            + [pltpu.VMEM((_CHUNK, _D), jnp.float32)] * _NBUF
            + [pltpu.SemaphoreType.DMA] * (2 * _NBUF)
        ),
    )
    def emb(idx_hbm, table_hbm, out_hbm, idx_v, *rest):
        bufs = rest[:_NBUF]
        gsems = rest[_NBUF:2 * _NBUF]
        ssems = rest[2 * _NBUF:]
        wid = lax.axis_index("s") * _NC + lax.axis_index("c")
        base = wid * per_w
        pltpu.sync_copy(idx_hbm.at[wid], idx_v)

        def gather(j, b):
            return pltpu.make_async_copy(
                table_hbm.at[idx_v.at[j]], bufs[b], gsems[b])

        def store(j, b):
            return pltpu.make_async_copy(
                bufs[b], out_hbm.at[pl.ds(base + j * _CHUNK, _CHUNK)],
                ssems[b])

        lag = _NBUF // 2
        ahead = _NBUF - lag

        for b in range(ahead):
            gather(b, b).start()

        def body(jj, carry):
            for b in range(_NBUF):
                j = jj * _NBUF + b
                bd = (b - lag) % _NBUF
                jd = j - lag
                jn = j + ahead

                @pl.when(jd >= 0)
                def _():
                    store(jd, bd).wait()

                @pl.when(jn < nch)
                def _():
                    gather(jn, bd).start()

                gather(j, b).wait()
                store(j, b).start()
            return carry

        lax.fori_loop(0, nch // _NBUF, body, 0)

        for k in range(lag):
            j = nch - lag + k
            store(j, j % _NBUF).wait()

    return emb


def kernel(sensor_ids, table):
    b, l = sensor_ids.shape
    n = b * l
    idx = sensor_ids.reshape(_NW, n // _NW // _CHUNK, _CHUNK).astype(jnp.int32)
    out = _build(n)(idx, table)
    return out.reshape(b, l, table.shape[1])

# --- scband reference (transcript-rebuilt; emitter-appended) ---
"""Pipeline reference for scband-sensor-embedding-90580860273195 (READ-ONLY COPY).

The authoritative reference and input builder live on the scoring server;
editing this copy changes nothing except your own understanding.
"""

import jax, jax.numpy as jnp
import numpy as np

NUM_SENSORS = 100000
D_MODEL = 128
B, L = 4096, 200

def setup_inputs(seed: int = 0) -> dict:
    key = jax.random.key(seed)
    k_idx, k_tab = jax.random.split(key)
    sensor_ids = jax.random.randint(k_idx, (B, L), 0, NUM_SENSORS + 1, dtype=jnp.int64 if jax.config.jax_enable_x64 else jnp.int32)
    # Embedding table: num_sensors + 1 rows (extra row for target token id = num_sensors)
    table = jax.random.normal(k_tab, (NUM_SENSORS + 1, D_MODEL), dtype=jnp.float32)
    return {"sensor_ids": sensor_ids, "table": table}

def reference(sensor_ids, table):
    # nn.Embedding lookup: table[idx] -> [B, L, d_model]
    return jnp.take(table, sensor_ids, axis=0)

if __name__ == "__main__":
    import jax
    _d = setup_inputs()
    print(jax.jit(kernel)(*tuple(_d.values())))

</pallas_src>

<mosaic_0001>
#map = affine_map<(d0, d1) -> (0, 0, 0)>
#map1 = affine_map<(d0, d1) -> (0, 0)>
module attributes {stable_mosaic.version = 14 : i64} {
  func.func @emb(%arg0: i32, %arg1: i32, %arg2: memref<32x200x128xi32, #tpu.memory_space<hbm>>, %arg3: memref<100001x128xf32, #tpu.memory_space<hbm>>, %arg4: memref<819200x128xf32, #tpu.memory_space<hbm>>, %arg5: memref<200x128xi32, #tpu.memory_space<vmem>>, %arg6: memref<128x128xf32, #tpu.memory_space<vmem>>, %arg7: memref<128x128xf32, #tpu.memory_space<vmem>>, %arg8: memref<128x128xf32, #tpu.memory_space<vmem>>, %arg9: memref<128x128xf32, #tpu.memory_space<vmem>>, %arg10: memref<128x128xf32, #tpu.memory_space<vmem>>, %arg11: memref<!tpu.dma_semaphore, #tpu.memory_space<semaphore_mem>>, %arg12: memref<!tpu.dma_semaphore, #tpu.memory_space<semaphore_mem>>, %arg13: memref<!tpu.dma_semaphore, #tpu.memory_space<semaphore_mem>>, %arg14: memref<!tpu.dma_semaphore, #tpu.memory_space<semaphore_mem>>, %arg15: memref<!tpu.dma_semaphore, #tpu.memory_space<semaphore_mem>>, %arg16: memref<!tpu.dma_semaphore, #tpu.memory_space<semaphore_mem>>, %arg17: memref<!tpu.dma_semaphore, #tpu.memory_space<semaphore_mem>>, %arg18: memref<!tpu.dma_semaphore, #tpu.memory_space<semaphore_mem>>, %arg19: memref<!tpu.dma_semaphore, #tpu.memory_space<semaphore_mem>>, %arg20: memref<!tpu.dma_semaphore, #tpu.memory_space<semaphore_mem>>) attributes {dimension_semantics = [#tpu.dimension_semantics<core_parallel>, #tpu.dimension_semantics<subcore_parallel>], iteration_bounds = array<i64: 2, 16>, scalar_prefetch = 0 : i64, scratch_operands = 16 : i64, tpu.core_type = #tpu.core_type<sc_vector_subcore>, window_params = [{transform_indices = #map}, {transform_indices = #map1}, {transform_indices = #map1}]} {
    %mul3A = arith.constant 2 : i32
    %mul3A_0 = arith.muli %arg1, %mul3A : i32
    %add3A = arith.addi %mul3A_0, %arg0 : i32
    %mul3A_1 = arith.constant 25600 : i32
    %mul3A_2 = arith.muli %add3A, %mul3A_1 : i32
    "tpu.region"() ({
      %run_scoped3A = tpu.sem_alloc : memref<!tpu.dma_semaphore, #tpu.memory_space<semaphore_mem>>
      %dma_start3A_39 = arith.constant 0 : i32
      %dma_start3A_40 = arith.constant 0 : i32
      %dma_start3A_41 = tpu.memref_slice %arg2[%add3A, %dma_start3A_39, %dma_start3A_40] : memref<32x200x128xi32, #tpu.memory_space<hbm>> -> memref<1x200x128xi32, #tpu.memory_space<hbm>>
      %dma_start3A_42 = tpu.memref_squeeze %dma_start3A_41 : memref<1x200x128xi32, #tpu.memory_space<hbm>> -> memref<200x128xi32, #tpu.memory_space<hbm>>
      %dma_start3A_43 = arith.constant 0 : i32
      %dma_start3A_44 = arith.constant 0 : i32
      %dma_start3A_45 = tpu.memref_slice %arg2[%add3A, %dma_start3A_43, %dma_start3A_44] : memref<32x200x128xi32, #tpu.memory_space<hbm>> -> memref<1x200x128xi32, #tpu.memory_space<hbm>>
      %dma_start3A_46 = tpu.memref_squeeze %dma_start3A_45 : memref<1x200x128xi32, #tpu.memory_space<hbm>> -> memref<200x128xi32, #tpu.memory_space<hbm>>
      tpu.enqueue_dma source(%dma_start3A_46 : memref<200x128xi32, #tpu.memory_space<hbm>>) target(%arg5 : memref<200x128xi32, #tpu.memory_space<vmem>>) target_semaphore(%run_scoped3A : memref<!tpu.dma_semaphore, #tpu.memory_space<semaphore_mem>>)
      %dma_wait3A_47 = arith.constant 0 : i32
      %dma_wait3A_48 = arith.constant 0 : i32
      %dma_wait3A_49 = tpu.memref_slice %arg2[%add3A, %dma_wait3A_47, %dma_wait3A_48] : memref<32x200x128xi32, #tpu.memory_space<hbm>> -> memref<1x200x128xi32, #tpu.memory_space<hbm>>
      %dma_wait3A_50 = tpu.memref_squeeze %dma_wait3A_49 : memref<1x200x128xi32, #tpu.memory_space<hbm>> -> memref<200x128xi32, #tpu.memory_space<hbm>>
      %dma_wait3A_51 = arith.constant 0 : i32
      %dma_wait3A_52 = arith.constant 0 : i32
      %dma_wait3A_53 = tpu.memref_slice %arg2[%add3A, %dma_wait3A_51, %dma_wait3A_52] : memref<32x200x128xi32, #tpu.memory_space<hbm>> -> memref<1x200x128xi32, #tpu.memory_space<hbm>>
      %dma_wait3A_54 = tpu.memref_squeeze %dma_wait3A_53 : memref<1x200x128xi32, #tpu.memory_space<hbm>> -> memref<200x128xi32, #tpu.memory_space<hbm>>
      tpu.wait_dma2 semaphore(%run_scoped3A : memref<!tpu.dma_semaphore, #tpu.memory_space<semaphore_mem>>) src(%dma_wait3A_54 : memref<200x128xi32, #tpu.memory_space<hbm>>) dst(%arg5 : memref<200x128xi32, #tpu.memory_space<vmem>>)
      tpu.yield
    }) : () -> ()
    %dma_start3A = arith.constant 0 : i32
    %dma_start3A_3 = arith.constant 0 : i32
    %dma_start3A_4 = tpu.memref_slice %arg5[%dma_start3A, %dma_start3A_3] : memref<200x128xi32, #tpu.memory_space<vmem>> -> memref<1x128xi32, #tpu.memory_space<vmem>>
    %dma_start3A_5 = tpu.memref_squeeze %dma_start3A_4 : memref<1x128xi32, #tpu.memory_space<vmem>> -> memref<128xi32, #tpu.memory_space<vmem>>
    %dma_start3A_6 = arith.constant 0 : i32
    %dma_start3A_7 = arith.constant 0 : i32
    %dma_start3A_8 = tpu.memref_slice %arg3[%dma_start3A_6, %dma_start3A_7] : memref<100001x128xf32, #tpu.memory_space<hbm>> -> memref<100001x128xf32, #tpu.memory_space<hbm>>
    tpu.enqueue_indirect_dma source(%dma_start3A_8 : memref<100001x128xf32, #tpu.memory_space<hbm>>) target(%arg6 : memref<128x128xf32, #tpu.memory_space<vmem>>) offsets(%dma_start3A_5 : memref<128xi32, #tpu.memory_space<vmem>>) semaphore(%arg11 : memref<!tpu.dma_semaphore, #tpu.memory_space<semaphore_mem>>)
    %dma_start3A_9 = arith.constant 1 : i32
    %dma_start3A_10 = arith.constant 0 : i32
    %dma_start3A_11 = tpu.memref_slice %arg5[%dma_start3A_9, %dma_start3A_10] : memref<200x128xi32, #tpu.memory_space<vmem>> -> memref<1x128xi32, #tpu.memory_space<vmem>>
    %dma_start3A_12 = tpu.memref_squeeze %dma_start3A_11 : memref<1x128xi32, #tpu.memory_space<vmem>> -> memref<128xi32, #tpu.memory_space<vmem>>
    %dma_start3A_13 = arith.constant 0 : i32
    %dma_start3A_14 = arith.constant 0 : i32
    %dma_start3A_15 = tpu.memref_slice %arg3[%dma_start3A_13, %dma_start3A_14] : memref<100001x128xf32, #tpu.memory_space<hbm>> -> memref<100001x128xf32, #tpu.memory_space<hbm>>
    tpu.enqueue_indirect_dma source(%dma_start3A_15 : memref<100001x128xf32, #tpu.memory_space<hbm>>) target(%arg7 : memref<128x128xf32, #tpu.memory_space<vmem>>) offsets(%dma_start3A_12 : memref<128xi32, #tpu.memory_space<vmem>>) semaphore(%arg12 : memref<!tpu.dma_semaphore, #tpu.memory_space<semaphore_mem>>)
    %dma_start3A_16 = arith.constant 2 : i32
    %dma_start3A_17 = arith.constant 0 : i32
    %dma_start3A_18 = tpu.memref_slice %arg5[%dma_start3A_16, %dma_start3A_17] : memref<200x128xi32, #tpu.memory_space<vmem>> -> memref<1x128xi32, #tpu.memory_space<vmem>>
    %dma_start3A_19 = tpu.memref_squeeze %dma_start3A_18 : memref<1x128xi32, #tpu.memory_space<vmem>> -> memref<128xi32, #tpu.memory_space<vmem>>
    %dma_start3A_20 = arith.constant 0 : i32
    %dma_start3A_21 = arith.constant 0 : i32
    %dma_start3A_22 = tpu.memref_slice %arg3[%dma_start3A_20, %dma_start3A_21] : memref<100001x128xf32, #tpu.memory_space<hbm>> -> memref<100001x128xf32, #tpu.memory_space<hbm>>
    tpu.enqueue_indirect_dma source(%dma_start3A_22 : memref<100001x128xf32, #tpu.memory_space<hbm>>) target(%arg8 : memref<128x128xf32, #tpu.memory_space<vmem>>) offsets(%dma_start3A_19 : memref<128xi32, #tpu.memory_space<vmem>>) semaphore(%arg13 : memref<!tpu.dma_semaphore, #tpu.memory_space<semaphore_mem>>)
    %scan3A = arith.constant 0 : i32
    %scan3A_23 = arith.constant 0 : i32
    %scan3A_24 = arith.constant 40 : i32
    %scan3A_25 = arith.addi %scan3A_23, %scan3A_24 : i32
    %scan3A_26 = arith.constant 1 : i32
    scf.for %scan3A_39 = %scan3A_23 to %scan3A_25 step %scan3A_26  : i32 {
      %mul3A_40 = arith.constant 5 : i32
      %mul3A_41 = arith.muli %scan3A_39, %mul3A_40 : i32
      %add3A_42 = arith.constant 0 : i32
      %add3A_43 = arith.addi %mul3A_41, %add3A_42 : i32
      %sub3A = arith.constant 2 : i32
      %sub3A_44 = arith.subi %add3A_43, %sub3A : i32
      %add3A_45 = arith.constant 3 : i32
      %add3A_46 = arith.addi %add3A_43, %add3A_45 : i32
      %ge3A = arith.constant 0 : i32
      %ge3A_47 = arith.cmpi sge, %sub3A_44, %ge3A : i32
      %convert_element_type3A = arith.extui %ge3A_47 : i1 to i32
      %cond3A = arith.constant 0 : i32
      %cond3A_48 = arith.cmpi ne, %convert_element_type3A, %cond3A : i32
      scf.if %cond3A_48 {
        %mul3A_190 = arith.constant 128 : i32
        %mul3A_191 = arith.muli %sub3A_44, %mul3A_190 : i32
        %add3A_192 = arith.addi %mul3A_2, %mul3A_191 : i32
        %dma_wait3A_193 = arith.constant 0 : i32
        %dma_wait3A_194 = tpu.memref_slice %arg4[%add3A_192, %dma_wait3A_193] : memref<819200x128xf32, #tpu.memory_space<hbm>> -> memref<128x128xf32, #tpu.memory_space<hbm>>
        %dma_wait3A_195 = arith.constant 0 : i32
        %dma_wait3A_196 = tpu.memref_slice %arg4[%add3A_192, %dma_wait3A_195] : memref<819200x128xf32, #tpu.memory_space<hbm>> -> memref<128x128xf32, #tpu.memory_space<hbm>>
        tpu.wait_dma2 semaphore(%arg19 : memref<!tpu.dma_semaphore, #tpu.memory_space<semaphore_mem>>) src(%arg9 : memref<128x128xf32, #tpu.memory_space<vmem>>) dst(%dma_wait3A_196 : memref<128x128xf32, #tpu.memory_space<hbm>>)
      } else {
      }
      %lt3A = arith.constant 200 : i32
      %lt3A_49 = arith.cmpi slt, %add3A_46, %lt3A : i32
      %convert_element_type3A_50 = arith.extui %lt3A_49 : i1 to i32
      %cond3A_51 = arith.constant 0 : i32
      %cond3A_52 = arith.cmpi ne, %convert_element_type3A_50, %cond3A_51 : i32
      scf.if %cond3A_52 {
        %dma_start3A_190 = arith.constant 0 : i32
        %dma_start3A_191 = tpu.memref_slice %arg5[%add3A_46, %dma_start3A_190] : memref<200x128xi32, #tpu.memory_space<vmem>> -> memref<1x128xi32, #tpu.memory_space<vmem>>
        %dma_start3A_192 = tpu.memref_squeeze %dma_start3A_191 : memref<1x128xi32, #tpu.memory_space<vmem>> -> memref<128xi32, #tpu.memory_space<vmem>>
        %dma_start3A_193 = arith.constant 0 : i32
        %dma_start3A_194 = arith.constant 0 : i32
        %dma_start3A_195 = tpu.memref_slice %arg3[%dma_start3A_193, %dma_start3A_194] : memref<100001x128xf32, #tpu.memory_space<hbm>> -> memref<100001x128xf32, #tpu.memory_space<hbm>>
        tpu.enqueue_indirect_dma source(%dma_start3A_195 : memref<100001x128xf32, #tpu.memory_space<hbm>>) target(%arg9 : memref<128x128xf32, #tpu.memory_space<vmem>>) offsets(%dma_start3A_192 : memref<128xi32, #tpu.memory_space<vmem>>) semaphore(%arg14 : memref<!tpu.dma_semaphore, #tpu.memory_space<semaphore_mem>>)
      } else {
      }
      %dma_wait3A_53 = arith.constant 0 : i32
      %dma_wait3A_54 = tpu.memref_slice %arg5[%add3A_43, %dma_wait3A_53] : memref<200x128xi32, #tpu.memory_space<vmem>> -> memref<1x128xi32, #tpu.memory_space<vmem>>
      %dma_wait3A_55 = tpu.memref_squeeze %dma_wait3A_54 : memref<1x128xi32, #tpu.memory_space<vmem>> -> memref<128xi32, #tpu.memory_space<vmem>>
      %dma_wait3A_56 = arith.constant 0 : i32
      %dma_wait3A_57 = arith.constant 0 : i32
      %dma_wait3A_58 = tpu.memref_slice %arg3[%dma_wait3A_56, %dma_wait3A_57] : memref<100001x128xf32, #tpu.memory_space<hbm>> -> memref<100001x128xf32, #tpu.memory_space<hbm>>
      tpu.wait_indirect_dma semaphore(%arg11 : memref<!tpu.dma_semaphore, #tpu.memory_space<semaphore_mem>>) src(%dma_wait3A_58 : memref<100001x128xf32, #tpu.memory_space<hbm>>) dst(%arg6 : memref<128x128xf32, #tpu.memory_space<vmem>>)
      %mul3A_59 = arith.constant 128 : i32
      %mul3A_60 = arith.muli %add3A_43, %mul3A_59 : i32
      %add3A_61 = arith.addi %mul3A_2, %mul3A_60 : i32
      %dma_start3A_62 = arith.constant 0 : i32
      %dma_start3A_63 = tpu.memref_slice %arg4[%add3A_61, %dma_start3A_62] : memref<819200x128xf32, #tpu.memory_space<hbm>> -> memref<128x128xf32, #tpu.memory_space<hbm>>
      %dma_start3A_64 = arith.constant 0 : i32
      %dma_start3A_65 = tpu.memref_slice %arg4[%add3A_61, %dma_start3A_64] : memref<819200x128xf32, #tpu.memory_space<hbm>> -> memref<128x128xf32, #tpu.memory_space<hbm>>
      tpu.enqueue_dma source(%arg6 : memref<128x128xf32, #tpu.memory_space<vmem>>) target(%dma_start3A_65 : memref<128x128xf32, #tpu.memory_space<hbm>>) target_semaphore(%arg16 : memref<!tpu.dma_semaphore, #tpu.memory_space<semaphore_mem>>)
      %mul3A_66 = arith.constant 5 : i32
      %mul3A_67 = arith.muli %scan3A_39, %mul3A_66 : i32
      %add3A_68 = arith.constant 1 : i32
      %add3A_69 = arith.addi %mul3A_67, %add3A_68 : i32
      %sub3A_70 = arith.constant 2 : i32
      %sub3A_71 = arith.subi %add3A_69, %sub3A_70 : i32
      %add3A_72 = arith.constant 3 : i32
      %add3A_73 = arith.addi %add3A_69, %add3A_72 : i32
      %ge3A_74 = arith.constant 0 : i32
      %ge3A_75 = arith.cmpi sge, %sub3A_71, %ge3A_74 : i32
      %convert_element_type3A_76 = arith.extui %ge3A_75 : i1 to i32
      %cond3A_77 = arith.constant 0 : i32
      %cond3A_78 = arith.cmpi ne, %convert_element_type3A_76, %cond3A_77 : i32
      scf.if %cond3A_78 {
        %mul3A_190 = arith.constant 128 : i32
        %mul3A_191 = arith.muli %sub3A_71, %mul3A_190 : i32
        %add3A_192 = arith.addi %mul3A_2, %mul3A_191 : i32
        %dma_wait3A_193 = arith.constant 0 : i32
        %dma_wait3A_194 = tpu.memref_slice %arg4[%add3A_192, %dma_wait3A_193] : memref<819200x128xf32, #tpu.memory_space<hbm>> -> memref<128x128xf32, #tpu.memory_space<hbm>>
        %dma_wait3A_195 = arith.constant 0 : i32
        %dma_wait3A_196 = tpu.memref_slice %arg4[%add3A_192, %dma_wait3A_195] : memref<819200x128xf32, #tpu.memory_space<hbm>> -> memref<128x128xf32, #tpu.memory_space<hbm>>
        tpu.wait_dma2 semaphore(%arg20 : memref<!tpu.dma_semaphore, #tpu.memory_space<semaphore_mem>>) src(%arg10 : memref<128x128xf32, #tpu.memory_space<vmem>>) dst(%dma_wait3A_196 : memref<128x128xf32, #tpu.memory_space<hbm>>)
      } else {
      }
      %lt3A_79 = arith.constant 200 : i32
      %lt3A_80 = arith.cmpi slt, %add3A_73, %lt3A_79 : i32
      %convert_element_type3A_81 = arith.extui %lt3A_80 : i1 to i32
      %cond3A_82 = arith.constant 0 : i32
      %cond3A_83 = arith.cmpi ne, %convert_element_type3A_81, %cond3A_82 : i32
      scf.if %cond3A_83 {
        %dma_start3A_190 = arith.constant 0 : i32
        %dma_start3A_191 = tpu.memref_slice %arg5[%add3A_73, %dma_start3A_190] : memref<200x128xi32, #tpu.memory_space<vmem>> -> memref<1x128xi32, #tpu.memory_space<vmem>>
        %dma_start3A_192 = tpu.memref_squeeze %dma_start3A_191 : memref<1x128xi32, #tpu.memory_space<vmem>> -> memref<128xi32, #tpu.memory_space<vmem>>
        %dma_start3A_193 = arith.constant 0 : i32
        %dma_start3A_194 = arith.constant 0 : i32
        %dma_start3A_195 = tpu.memref_slice %arg3[%dma_start3A_193, %dma_start3A_194] : memref<100001x128xf32, #tpu.memory_space<hbm>> -> memref<100001x128xf32, #tpu.memory_space<hbm>>
        tpu.enqueue_indirect_dma source(%dma_start3A_195 : memref<100001x128xf32, #tpu.memory_space<hbm>>) target(%arg10 : memref<128x128xf32, #tpu.memory_space<vmem>>) offsets(%dma_start3A_192 : memref<128xi32, #tpu.memory_space<vmem>>) semaphore(%arg15 : memref<!tpu.dma_semaphore, #tpu.memory_space<semaphore_mem>>)
      } else {
      }
      %dma_wait3A_84 = arith.constant 0 : i32
      %dma_wait3A_85 = tpu.memref_slice %arg5[%add3A_69, %dma_wait3A_84] : memref<200x128xi32, #tpu.memory_space<vmem>> -> memref<1x128xi32, #tpu.memory_space<vmem>>
      %dma_wait3A_86 = tpu.memref_squeeze %dma_wait3A_85 : memref<1x128xi32, #tpu.memory_space<vmem>> -> memref<128xi32, #tpu.memory_space<vmem>>
      %dma_wait3A_87 = arith.constant 0 : i32
      %dma_wait3A_88 = arith.constant 0 : i32
      %dma_wait3A_89 = tpu.memref_slice %arg3[%dma_wait3A_87, %dma_wait3A_88] : memref<100001x128xf32, #tpu.memory_space<hbm>> -> memref<100001x128xf32, #tpu.memory_space<hbm>>
      tpu.wait_indirect_dma semaphore(%arg12 : memref<!tpu.dma_semaphore, #tpu.memory_space<semaphore_mem>>) src(%dma_wait3A_89 : memref<100001x128xf32, #tpu.memory_space<hbm>>) dst(%arg7 : memref<128x128xf32, #tpu.memory_space<vmem>>)
      %mul3A_90 = arith.constant 128 : i32
      %mul3A_91 = arith.muli %add3A_69, %mul3A_90 : i32
      %add3A_92 = arith.addi %mul3A_2, %mul3A_91 : i32
      %dma_start3A_93 = arith.constant 0 : i32
      %dma_start3A_94 = tpu.memref_slice %arg4[%add3A_92, %dma_start3A_93] : memref<819200x128xf32, #tpu.memory_space<hbm>> -> memref<128x128xf32, #tpu.memory_space<hbm>>
      %dma_start3A_95 = arith.constant 0 : i32
      %dma_start3A_96 = tpu.memref_slice %arg4[%add3A_92, %dma_start3A_95] : memref<819200x128xf32, #tpu.memory_space<hbm>> -> memref<128x128xf32, #tpu.memory_space<hbm>>
      tpu.enqueue_dma source(%arg7 : memref<128x128xf32, #tpu.memory_space<vmem>>) target(%dma_start3A_96 : memref<128x128xf32, #tpu.memory_space<hbm>>) target_semaphore(%arg17 : memref<!tpu.dma_semaphore, #tpu.memory_space<semaphore_mem>>)
      %mul3A_97 = arith.constant 5 : i32
      %mul3A_98 = arith.muli %scan3A_39, %mul3A_97 : i32
      %add3A_99 = arith.constant 2 : i32
      %add3A_100 = arith.addi %mul3A_98, %add3A_99 : i32
      %sub3A_101 = arith.constant 2 : i32
      %sub3A_102 = arith.subi %add3A_100, %sub3A_101 : i32
      %add3A_103 = arith.constant 3 : i32
      %add3A_104 = arith.addi %add3A_100, %add3A_103 : i32
      %ge3A_105 = arith.constant 0 : i32
      %ge3A_106 = arith.cmpi sge, %sub3A_102, %ge3A_105 : i32
      %convert_element_type3A_107 = arith.extui %ge3A_106 : i1 to i32
      %cond3A_108 = arith.constant 0 : i32
      %cond3A_109 = arith.cmpi ne, %convert_element_type3A_107, %cond3A_108 : i32
      scf.if %cond3A_109 {
        %mul3A_190 = arith.constant 128 : i32
        %mul3A_191 = arith.muli %sub3A_102, %mul3A_190 : i32
        %add3A_192 = arith.addi %mul3A_2, %mul3A_191 : i32
        %dma_wait3A_193 = arith.constant 0 : i32
        %dma_wait3A_194 = tpu.memref_slice %arg4[%add3A_192, %dma_wait3A_193] : memref<819200x128xf32, #tpu.memory_space<hbm>> -> memref<128x128xf32, #tpu.memory_space<hbm>>
        %dma_wait3A_195 = arith.constant 0 : i32
        %dma_wait3A_196 = tpu.memref_slice %arg4[%add3A_192, %dma_wait3A_195] : memref<819200x128xf32, #tpu.memory_space<hbm>> -> memref<128x128xf32, #tpu.memory_space<hbm>>
        tpu.wait_dma2 semaphore(%arg16 : memref<!tpu.dma_semaphore, #tpu.memory_space<semaphore_mem>>) src(%arg6 : memref<128x128xf32, #tpu.memory_space<vmem>>) dst(%dma_wait3A_196 : memref<128x128xf32, #tpu.memory_space<hbm>>)
      } else {
      }
      %lt3A_110 = arith.constant 200 : i32
      %lt3A_111 = arith.cmpi slt, %add3A_104, %lt3A_110 : i32
      %convert_element_type3A_112 = arith.extui %lt3A_111 : i1 to i32
      %cond3A_113 = arith.constant 0 : i32
      %cond3A_114 = arith.cmpi ne, %convert_element_type3A_112, %cond3A_113 : i32
      scf.if %cond3A_114 {
        %dma_start3A_190 = arith.constant 0 : i32
        %dma_start3A_191 = tpu.memref_slice %arg5[%add3A_104, %dma_start3A_190] : memref<200x128xi32, #tpu.memory_space<vmem>> -> memref<1x128xi32, #tpu.memory_space<vmem>>
        %dma_start3A_192 = tpu.memref_squeeze %dma_start3A_191 : memref<1x128xi32, #tpu.memory_space<vmem>> -> memref<128xi32, #tpu.memory_space<vmem>>
        %dma_start3A_193 = arith.constant 0 : i32
        %dma_start3A_194 = arith.constant 0 : i32
        %dma_start3A_195 = tpu.memref_slice %arg3[%dma_start3A_193, %dma_start3A_194] : memref<100001x128xf32, #tpu.memory_space<hbm>> -> memref<100001x128xf32, #tpu.memory_space<hbm>>
        tpu.enqueue_indirect_dma source(%dma_start3A_195 : memref<100001x128xf32, #tpu.memory_space<hbm>>) target(%arg6 : memref<128x128xf32, #tpu.memory_space<vmem>>) offsets(%dma_start3A_192 : memref<128xi32, #tpu.memory_space<vmem>>) semaphore(%arg11 : memref<!tpu.dma_semaphore, #tpu.memory_space<semaphore_mem>>)
      } else {
      }
      %dma_wait3A_115 = arith.constant 0 : i32
      %dma_wait3A_116 = tpu.memref_slice %arg5[%add3A_100, %dma_wait3A_115] : memref<200x128xi32, #tpu.memory_space<vmem>> -> memref<1x128xi32, #tpu.memory_space<vmem>>
      %dma_wait3A_117 = tpu.memref_squeeze %dma_wait3A_116 : memref<1x128xi32, #tpu.memory_space<vmem>> -> memref<128xi32, #tpu.memory_space<vmem>>
      %dma_wait3A_118 = arith.constant 0 : i32
      %dma_wait3A_119 = arith.constant 0 : i32
      %dma_wait3A_120 = tpu.memref_slice %arg3[%dma_wait3A_118, %dma_wait3A_119] : memref<100001x128xf32, #tpu.memory_space<hbm>> -> memref<100001x128xf32, #tpu.memory_space<hbm>>
      tpu.wait_indirect_dma semaphore(%arg13 : memref<!tpu.dma_semaphore, #tpu.memory_space<semaphore_mem>>) src(%dma_wait3A_120 : memref<100001x128xf32, #tpu.memory_space<hbm>>) dst(%arg8 : memref<128x128xf32, #tpu.memory_space<vmem>>)
      %mul3A_121 = arith.constant 128 : i32
      %mul3A_122 = arith.muli %add3A_100, %mul3A_121 : i32
      %add3A_123 = arith.addi %mul3A_2, %mul3A_122 : i32
      %dma_start3A_124 = arith.constant 0 : i32
      %dma_start3A_125 = tpu.memref_slice %arg4[%add3A_123, %dma_start3A_124] : memref<819200x128xf32, #tpu.memory_space<hbm>> -> memref<128x128xf32, #tpu.memory_space<hbm>>
      %dma_start3A_126 = arith.constant 0 : i32
      %dma_start3A_127 = tpu.memref_slice %arg4[%add3A_123, %dma_start3A_126] : memref<819200x128xf32, #tpu.memory_space<hbm>> -> memref<128x128xf32, #tpu.memory_space<hbm>>
      tpu.enqueue_dma source(%arg8 : memref<128x128xf32, #tpu.memory_space<vmem>>) target(%dma_start3A_127 : memref<128x128xf32, #tpu.memory_space<hbm>>) target_semaphore(%arg18 : memref<!tpu.dma_semaphore, #tpu.memory_space<semaphore_mem>>)
      %mul3A_128 = arith.constant 5 : i32
      %mul3A_129 = arith.muli %scan3A_39, %mul3A_128 : i32
      %add3A_130 = arith.constant 3 : i32
      %add3A_131 = arith.addi %mul3A_129, %add3A_130 : i32
      %sub3A_132 = arith.constant 2 : i32
      %sub3A_133 = arith.subi %add3A_131, %sub3A_132 : i32
      %add3A_134 = arith.constant 3 : i32
      %add3A_135 = arith.addi %add3A_131, %add3A_134 : i32
      %ge3A_136 = arith.constant 0 : i32
      %ge3A_137 = arith.cmpi sge, %sub3A_133, %ge3A_136 : i32
      %convert_element_type3A_138 = arith.extui %ge3A_137 : i1 to i32
      %cond3A_139 = arith.constant 0 : i32
      %cond3A_140 = arith.cmpi ne, %convert_element_type3A_138, %cond3A_139 : i32
      scf.if %cond3A_140 {
        %mul3A_190 = arith.constant 128 : i32
        %mul3A_191 = arith.muli %sub3A_133, %mul3A_190 : i32
        %add3A_192 = arith.addi %mul3A_2, %mul3A_191 : i32
        %dma_wait3A_193 = arith.constant 0 : i32
        %dma_wait3A_194 = tpu.memref_slice %arg4[%add3A_192, %dma_wait3A_193] : memref<819200x128xf32, #tpu.memory_space<hbm>> -> memref<128x128xf32, #tpu.memory_space<hbm>>
        %dma_wait3A_195 = arith.constant 0 : i32
        %dma_wait3A_196 = tpu.memref_slice %arg4[%add3A_192, %dma_wait3A_195] : memref<819200x128xf32, #tpu.memory_space<hbm>> -> memref<128x128xf32, #tpu.memory_space<hbm>>
        tpu.wait_dma2 semaphore(%arg17 : memref<!tpu.dma_semaphore, #tpu.memory_space<semaphore_mem>>) src(%arg7 : memref<128x128xf32, #tpu.memory_space<vmem>>) dst(%dma_wait3A_196 : memref<128x128xf32, #tpu.memory_space<hbm>>)
      } else {
      }
      %lt3A_141 = arith.constant 200 : i32
      %lt3A_142 = arith.cmpi slt, %add3A_135, %lt3A_141 : i32
      %convert_element_type3A_143 = arith.extui %lt3A_142 : i1 to i32
      %cond3A_144 = arith.constant 0 : i32
      %cond3A_145 = arith.cmpi ne, %convert_element_type3A_143, %cond3A_144 : i32
      scf.if %cond3A_145 {
        %dma_start3A_190 = arith.constant 0 : i32
        %dma_start3A_191 = tpu.memref_slice %arg5[%add3A_135, %dma_start3A_190] : memref<200x128xi32, #tpu.memory_space<vmem>> -> memref<1x128xi32, #tpu.memory_space<vmem>>
        %dma_start3A_192 = tpu.memref_squeeze %dma_start3A_191 : memref<1x128xi32, #tpu.memory_space<vmem>> -> memref<128xi32, #tpu.memory_space<vmem>>
        %dma_start3A_193 = arith.constant 0 : i32
        %dma_start3A_194 = arith.constant 0 : i32
        %dma_start3A_195 = tpu.memref_slice %arg3[%dma_start3A_193, %dma_start3A_194] : memref<100001x128xf32, #tpu.memory_space<hbm>> -> memref<100001x128xf32, #tpu.memory_space<hbm>>
        tpu.enqueue_indirect_dma source(%dma_start3A_195 : memref<100001x128xf32, #tpu.memory_space<hbm>>) target(%arg7 : memref<128x128xf32, #tpu.memory_space<vmem>>) offsets(%dma_start3A_192 : memref<128xi32, #tpu.memory_space<vmem>>) semaphore(%arg12 : memref<!tpu.dma_semaphore, #tpu.memory_space<semaphore_mem>>)
      } else {
      }
      %dma_wait3A_146 = arith.constant 0 : i32
      %dma_wait3A_147 = tpu.memref_slice %arg5[%add3A_131, %dma_wait3A_146] : memref<200x128xi32, #tpu.memory_space<vmem>> -> memref<1x128xi32, #tpu.memory_space<vmem>>
      %dma_wait3A_148 = tpu.memref_squeeze %dma_wait3A_147 : memref<1x128xi32, #tpu.memory_space<vmem>> -> memref<128xi32, #tpu.memory_space<vmem>>
      %dma_wait3A_149 = arith.constant 0 : i32
      %dma_wait3A_150 = arith.constant 0 : i32
      %dma_wait3A_151 = tpu.memref_slice %arg3[%dma_wait3A_149, %dma_wait3A_150] : memref<100001x128xf32, #tpu.memory_space<hbm>> -> memref<100001x128xf32, #tpu.memory_space<hbm>>
      tpu.wait_indirect_dma semaphore(%arg14 : memref<!tpu.dma_semaphore, #tpu.memory_space<semaphore_mem>>) src(%dma_wait3A_151 : memref<100001x128xf32, #tpu.memory_space<hbm>>) dst(%arg9 : memref<128x128xf32, #tpu.memory_space<vmem>>)
      %mul3A_152 = arith.constant 128 : i32
      %mul3A_153 = arith.muli %add3A_131, %mul3A_152 : i32
      %add3A_154 = arith.addi %mul3A_2, %mul3A_153 : i32
      %dma_start3A_155 = arith.constant 0 : i32
      %dma_start3A_156 = tpu.memref_slice %arg4[%add3A_154, %dma_start3A_155] : memref<819200x128xf32, #tpu.memory_space<hbm>> -> memref<128x128xf32, #tpu.memory_space<hbm>>
      %dma_start3A_157 = arith.constant 0 : i32
      %dma_start3A_158 = tpu.memref_slice %arg4[%add3A_154, %dma_start3A_157] : memref<819200x128xf32, #tpu.memory_space<hbm>> -> memref<128x128xf32, #tpu.memory_space<hbm>>
      tpu.enqueue_dma source(%arg9 : memref<128x128xf32, #tpu.memory_space<vmem>>) target(%dma_start3A_158 : memref<128x128xf32, #tpu.memory_space<hbm>>) target_semaphore(%arg19 : memref<!tpu.dma_semaphore, #tpu.memory_space<semaphore_mem>>)
      %mul3A_159 = arith.constant 5 : i32
      %mul3A_160 = arith.muli %scan3A_39, %mul3A_159 : i32
      %add3A_161 = arith.constant 4 : i32
      %add3A_162 = arith.addi %mul3A_160, %add3A_161 : i32
      %sub3A_163 = arith.constant 2 : i32
      %sub3A_164 = arith.subi %add3A_162, %sub3A_163 : i32
      %add3A_165 = arith.constant 3 : i32
      %add3A_166 = arith.addi %add3A_162, %add3A_165 : i32
      %ge3A_167 = arith.constant 0 : i32
      %ge3A_168 = arith.cmpi sge, %sub3A_164, %ge3A_167 : i32
      %convert_element_type3A_169 = arith.extui %ge3A_168 : i1 to i32
      %cond3A_170 = arith.constant 0 : i32
      %cond3A_171 = arith.cmpi ne, %convert_element_type3A_169, %cond3A_170 : i32
      scf.if %cond3A_171 {
        %mul3A_190 = arith.constant 128 : i32
        %mul3A_191 = arith.muli %sub3A_164, %mul3A_190 : i32
        %add3A_192 = arith.addi %mul3A_2, %mul3A_191 : i32
        %dma_wait3A_193 = arith.constant 0 : i32
        %dma_wait3A_194 = tpu.memref_slice %arg4[%add3A_192, %dma_wait3A_193] : memref<819200x128xf32, #tpu.memory_space<hbm>> -> memref<128x128xf32, #tpu.memory_space<hbm>>
        %dma_wait3A_195 = arith.constant 0 : i32
        %dma_wait3A_196 = tpu.memref_slice %arg4[%add3A_192, %dma_wait3A_195] : memref<819200x128xf32, #tpu.memory_space<hbm>> -> memref<128x128xf32, #tpu.memory_space<hbm>>
        tpu.wait_dma2 semaphore(%arg18 : memref<!tpu.dma_semaphore, #tpu.memory_space<semaphore_mem>>) src(%arg8 : memref<128x128xf32, #tpu.memory_space<vmem>>) dst(%dma_wait3A_196 : memref<128x128xf32, #tpu.memory_space<hbm>>)
      } else {
      }
      %lt3A_172 = arith.constant 200 : i32
      %lt3A_173 = arith.cmpi slt, %add3A_166, %lt3A_172 : i32
      %convert_element_type3A_174 = arith.extui %lt3A_173 : i1 to i32
      %cond3A_175 = arith.constant 0 : i32
      %cond3A_176 = arith.cmpi ne, %convert_element_type3A_174, %cond3A_175 : i32
      scf.if %cond3A_176 {
        %dma_start3A_190 = arith.constant 0 : i32
        %dma_start3A_191 = tpu.memref_slice %arg5[%add3A_166, %dma_start3A_190] : memref<200x128xi32, #tpu.memory_space<vmem>> -> memref<1x128xi32, #tpu.memory_space<vmem>>
        %dma_start3A_192 = tpu.memref_squeeze %dma_start3A_191 : memref<1x128xi32, #tpu.memory_space<vmem>> -> memref<128xi32, #tpu.memory_space<vmem>>
        %dma_start3A_193 = arith.constant 0 : i32
        %dma_start3A_194 = arith.constant 0 : i32
        %dma_start3A_195 = tpu.memref_slice %arg3[%dma_start3A_193, %dma_start3A_194] : memref<100001x128xf32, #tpu.memory_space<hbm>> -> memref<100001x128xf32, #tpu.memory_space<hbm>>
        tpu.enqueue_indirect_dma source(%dma_start3A_195 : memref<100001x128xf32, #tpu.memory_space<hbm>>) target(%arg8 : memref<128x128xf32, #tpu.memory_space<vmem>>) offsets(%dma_start3A_192 : memref<128xi32, #tpu.memory_space<vmem>>) semaphore(%arg13 : memref<!tpu.dma_semaphore, #tpu.memory_space<semaphore_mem>>)
      } else {
      }
      %dma_wait3A_177 = arith.constant 0 : i32
      %dma_wait3A_178 = tpu.memref_slice %arg5[%add3A_162, %dma_wait3A_177] : memref<200x128xi32, #tpu.memory_space<vmem>> -> memref<1x128xi32, #tpu.memory_space<vmem>>
      %dma_wait3A_179 = tpu.memref_squeeze %dma_wait3A_178 : memref<1x128xi32, #tpu.memory_space<vmem>> -> memref<128xi32, #tpu.memory_space<vmem>>
      %dma_wait3A_180 = arith.constant 0 : i32
      %dma_wait3A_181 = arith.constant 0 : i32
      %dma_wait3A_182 = tpu.memref_slice %arg3[%dma_wait3A_180, %dma_wait3A_181] : memref<100001x128xf32, #tpu.memory_space<hbm>> -> memref<100001x128xf32, #tpu.memory_space<hbm>>
      tpu.wait_indirect_dma semaphore(%arg15 : memref<!tpu.dma_semaphore, #tpu.memory_space<semaphore_mem>>) src(%dma_wait3A_182 : memref<100001x128xf32, #tpu.memory_space<hbm>>) dst(%arg10 : memref<128x128xf32, #tpu.memory_space<vmem>>)
      %mul3A_183 = arith.constant 128 : i32
      %mul3A_184 = arith.muli %add3A_162, %mul3A_183 : i32
      %add3A_185 = arith.addi %mul3A_2, %mul3A_184 : i32
      %dma_start3A_186 = arith.constant 0 : i32
      %dma_start3A_187 = tpu.memref_slice %arg4[%add3A_185, %dma_start3A_186] : memref<819200x128xf32, #tpu.memory_space<hbm>> -> memref<128x128xf32, #tpu.memory_space<hbm>>
      %dma_start3A_188 = arith.constant 0 : i32
      %dma_start3A_189 = tpu.memref_slice %arg4[%add3A_185, %dma_start3A_188] : memref<819200x128xf32, #tpu.memory_space<hbm>> -> memref<128x128xf32, #tpu.memory_space<hbm>>
      tpu.enqueue_dma source(%arg10 : memref<128x128xf32, #tpu.memory_space<vmem>>) target(%dma_start3A_189 : memref<128x128xf32, #tpu.memory_space<hbm>>) target_semaphore(%arg20 : memref<!tpu.dma_semaphore, #tpu.memory_space<semaphore_mem>>)
    }
    %scan3A_27 = arith.constant 40 : i32
    %add3A_28 = arith.constant 25344 : i32
    %add3A_29 = arith.addi %mul3A_2, %add3A_28 : i32
    %dma_wait3A = arith.constant 0 : i32
    %dma_wait3A_30 = tpu.memref_slice %arg4[%add3A_29, %dma_wait3A] : memref<819200x128xf32, #tpu.memory_space<hbm>> -> memref<128x128xf32, #tpu.memory_space<hbm>>
    %dma_wait3A_31 = arith.constant 0 : i32
    %dma_wait3A_32 = tpu.memref_slice %arg4[%add3A_29, %dma_wait3A_31] : memref<819200x128xf32, #tpu.memory_space<hbm>> -> memref<128x128xf32, #tpu.memory_space<hbm>>
    tpu.wait_dma2 semaphore(%arg19 : memref<!tpu.dma_semaphore, #tpu.memory_space<semaphore_mem>>) src(%arg9 : memref<128x128xf32, #tpu.memory_space<vmem>>) dst(%dma_wait3A_32 : memref<128x128xf32, #tpu.memory_space<hbm>>)
    %add3A_33 = arith.constant 25472 : i32
    %add3A_34 = arith.addi %mul3A_2, %add3A_33 : i32
    %dma_wait3A_35 = arith.constant 0 : i32
    %dma_wait3A_36 = tpu.memref_slice %arg4[%add3A_34, %dma_wait3A_35] : memref<819200x128xf32, #tpu.memory_space<hbm>> -> memref<128x128xf32, #tpu.memory_space<hbm>>
    %dma_wait3A_37 = arith.constant 0 : i32
    %dma_wait3A_38 = tpu.memref_slice %arg4[%add3A_34, %dma_wait3A_37] : memref<819200x128xf32, #tpu.memory_space<hbm>> -> memref<128x128xf32, #tpu.memory_space<hbm>>
    tpu.wait_dma2 semaphore(%arg20 : memref<!tpu.dma_semaphore, #tpu.memory_space<semaphore_mem>>) src(%arg10 : memref<128x128xf32, #tpu.memory_space<vmem>>) dst(%dma_wait3A_38 : memref<128x128xf32, #tpu.memory_space<hbm>>)
    return
  }
}

</mosaic_0001>

<sc_bundles>
// kernel: kernel.3.cloned.1.call-start
scs
__scs_entry_jumppad:
0x0: {  	(pc) =	sbr.rel $0x88, $3  }
0x1: {  	(tag) =	ssettag $0x0;
	lr =	simm.s32 $0x1  }
0x2: {  	[smem:$0x3F9F] =	sst lr;
	_ =	strace $0xD0000000  }
0x3: {  	_ = 	snop  }
0x4: {  	_ = 	snop  }
0x5: {  	_ = 	snop  }
0x6: {  	_ = 	snop  }
0x7: {  	_ = 	snop  }
__scs_overlays_trampoline_lowered:
0x8: {  	[smem:$0x3FAE] =	sst s0  }
0x9: {  	[smem:$0x3FAF] =	sst s1  }
0xa: {  	[smem:$0x3FB0] =	sst s2  }
0xb: {  	[smem:$0x3FB1] =	sst s3  }
0xc: {  	[smem:$0x3FB2] =	sst s4  }
0xd: {  	[smem:$0x3FB3] =	sst s5  }
0xe: {  	[smem:$0x3FB4] =	sst s6  }
0xf: {  	[smem:$0x3FB5] =	sst s7  }
0x10: {  	[smem:$0x3FB6] =	sst s8  }
0x11: {  	[smem:$0x3FB7] =	sst s9;
	s0 =	simm.s32 @!p0 $0x0  }
0x12: {  	s1 =	sld [smem:$0x3F9D];
	s0 =	simm.s32 @p0 $0x1  }
0x13: {  	[smem:$0x3FB8] =	sst s0;
	s0 =	simm.s32 @!p1 $0x0  }
0x14: {  	s2 =	sld [smem:$0x3F9C];
	s0 =	simm.s32 @p1 $0x1  }
0x15: {  	[smem:$0x3FB9] =	sst s0;
	s0 =	simm.s32 @!p2 $0x0  }
0x16: {  	s3 =	sld [smem:$0x3FDB];
	s0 =	simm.s32 @p2 $0x1  }
0x17: {  	s4 =	simm.s32 $0x1BF5;
	[smem:$0x3FBB] =	sst s0  }
0x18: {  	s0 =	sld [smem:$0x3F9E];
	_ =	swait.ge [sflag:s4], $0x0  }
0x19: {  	s7 =	sld [smem:$0x3F9F]  }
0x1a: {  	s8 =	sadd.s32 $0xFFFFE003, lr  }
0x1b: {  	s9 =	sadd.s32 $0xFFFFFEF7, lr;
	s5 =	simm.s32 $0xFFFFFFFF;
	p2 =	slt.u32 s8, $0xFFFFF086  }
0x1c: {  	p1 =	slt.u32 s9, $0xF7A;
	s5 =	simm.s32 @!p2 $0x0  }
0x1d: {  	s5 =	simm.s32 @p1 $0x1;
	p0 =	seq.s32 s7, s2  }
0x1e: {  	s7 =	smul.u32 @!p0 $0xF7A, s2;
	p2 =	seq.s32 @!p0 s5, $0x0  }
0x1f: {  	s9 =	smul.u32 $0xF7A, s1;
	s8 =	simm.s32 @!p0 $0x1BF5;
	p2 =	por !p2, p0  }
0x20: {  	[sflag:s8] =	ssyncset.s32 @!p0 $0xFFFFF086;
	s6 =	sadd.s32 @!p0 s3, s7;
	s7 =	simm.s32 @!p0 $0x108  }
0x21: {  	s3 =	sadd.s32 s3, s9;
	s6 =	sadd.s32 @!p0 $0x88, s6;
	s7 =	simm.s32 @p2 $0x1082  }
0x22: {  	[simem:s7], [sflag:s8] =	dma.local @!p0 [hbm:s6], $0xF7A  }
0x23: {  	s9 =	sor.u32 $0xD0000000, s2;
	s6 =	simm.s32 $0x108;
	_ =	swait.ge @!p0 [sflag:s8], $0x0  }
0x24: {  	s3 =	sadd.s32 $0x88, s3;
	s6 =	simm.s32 @!p1 $0x1082;
	[sflag:s4] =	ssyncset.s32 $0xFFFFF086  }
0x25: {  	[simem:s6], [sflag:s4] =	dma.local [hbm:s3], $0xF7A  }
0x26: {  	[smem:$0x3F9F] =	sst s1;
	(tag) =	ssettag s2;
	_ =	strace s9  }
0x27: {  	s1 =	sld [smem:$0x3FAF]  }
0x28: {  	s2 =	sld [smem:$0x3FB0]  }
0x29: {  	s4 =	sld [smem:$0x3FB2]  }
0x2a: {  	p0 =	seq.s32 s5, $0x0;
	s5 =	sld [smem:$0x3FB3]  }
0x2b: {  	s6 =	sld [smem:$0x3FB4]  }
0x2c: {  	s7 =	sld [smem:$0x3FB5]  }
0x2d: {  	s3 =	simm.s32 $0x108;
	s8 =	sld [smem:$0x3FB6]  }
0x2e: {  	s3 =	simm.s32 @!p0 $0x1082;
	s9 =	sld [smem:$0x3FB7]  }
0x2f: {  	lr =	sadd.s32 s0, s3;
	s0 =	sld [smem:$0x3FAE]  }
0x30: {  	s3 =	sld [smem:$0x3FB1]  }
0x31: {  	[smem:$0x3FBA] =	sst s10  }
0x32: {  	s10 =	sld [smem:$0x3FB8];
	_ =	sdelay $0x3  }
0x33: {  	p0 =	seq.s32 s10, $0x1;
	s10 =	sld [smem:$0x3FBA];
	_ =	sdelay $0x3  }
0x34: {  	[smem:$0x3FBA] =	sst s10  }
0x35: {  	s10 =	sld [smem:$0x3FB9];
	_ =	sdelay $0x3  }
0x36: {  	p1 =	seq.s32 s10, $0x1;
	s10 =	sld [smem:$0x3FBA];
	_ =	sdelay $0x3  }
0x37: {  	[smem:$0x3FBA] =	sst s10  }
0x38: {  	s10 =	sld [smem:$0x3FBB]  }
0x39: {  	_ = 	snop;
	(pc) =	sbr.ind lr, $3  }
0x3a: {  	_ = 	snop  }
0x3b: {  	_ = 	snop  }
0x3c: {  	p2 =	seq.s32 s10, $0x1;
	s10 =	sld [smem:$0x3FBA]  }
0x3d: {  	_ =	shalt  }
0x3e: {  	_ =	shalt  }
0x3f: {  	_ =	shalt  }
0x40: {  	_ =	shalt  }
0x41: {  	_ =	shalt  }
0x42: {  	_ =	shalt  }
0x43: {  	_ =	shalt  }
0x44: {  	_ =	shalt  }
0x45: {  	_ =	shalt  }
0x46: {  	_ =	shalt  }
0x47: {  	_ =	shalt  }
0x48: {  	_ =	shalt  }
0x49: {  	_ =	shalt  }
0x4a: {  	_ =	shalt  }
0x4b: {  	_ =	shalt  }
0x4c: {  	_ =	shalt  }
0x4d: {  	_ =	shalt  }
0x4e: {  	_ =	shalt  }
0x4f: {  	_ =	shalt  }
0x50: {  	_ =	shalt  }
0x51: {  	_ =	shalt  }
0x52: {  	_ =	shalt  }
0x53: {  	_ =	shalt  }
0x54: {  	_ =	shalt  }
0x55: {  	_ =	shalt  }
0x56: {  	_ =	shalt  }
0x57: {  	_ =	shalt  }
0x58: {  	_ =	shalt  }
0x59: {  	_ =	shalt  }
0x5a: {  	_ =	shalt  }
0x5b: {  	_ =	shalt  }
0x5c: {  	_ =	shalt  }
0x5d: {  	_ =	shalt  }
0x5e: {  	_ =	shalt  }
0x5f: {  	_ =	shalt  }
0x60: {  	_ =	shalt  }
0x61: {  	_ =	shalt  }
0x62: {  	_ =	shalt  }
0x63: {  	_ =	shalt  }
0x64: {  	_ =	shalt  }
0x65: {  	_ =	shalt  }
0x66: {  	_ =	shalt  }
0x67: {  	_ =	shalt  }
0x68: {  	_ =	shalt  }
0x69: {  	_ =	shalt  }
0x6a: {  	_ =	shalt  }
0x6b: {  	_ =	shalt  }
0x6c: {  	_ =	shalt  }
0x6d: {  	_ =	shalt  }
0x6e: {  	_ =	shalt  }
0x6f: {  	_ =	shalt  }
0x70: {  	_ =	shalt  }
0x71: {  	_ =	shalt  }
0x72: {  	_ =	shalt  }
0x73: {  	_ =	shalt  }
0x74: {  	_ =	shalt  }
0x75: {  	_ =	shalt  }
0x76: {  	_ =	shalt  }
0x77: {  	_ =	shalt  }
0x78: {  	_ =	shalt  }
0x79: {  	_ =	shalt  }
0x7a: {  	_ =	shalt  }
0x7b: {  	_ =	shalt  }
0x7c: {  	_ =	shalt  }
0x7d: {  	_ =	shalt  }
0x7e: {  	_ =	shalt  }
0x7f: {  	_ =	shalt  }
0x80: {  	_ =	shalt  }
0x81: {  	_ =	shalt  }
0x82: {  	_ =	shalt  }
0x83: {  	_ =	shalt  }
0x84: {  	_ =	shalt  }
0x85: {  	_ =	shalt  }
0x86: {  	_ =	shalt  }
0x87: {  	_ =	shalt  }
.Lfunc_end0:
.L_simem_size_0:
called_computation_lowered:
.L_overlay_start_0:
0x88: {  	s2 =	sld [smem:$0x3FD9]  }
0x89: {  	s3 =	sld [smem:$0x3FFE];
	_ =	sdelay $0x1  }
0x8a: {  	s1 =	srdreg.scid  }
0x8b: {  	s0 =	sand.u32 $0x1, s1  }
0x8c: {  	s17 =	sshll.u32 s0, $0xA;
	s2 =	sadd.s32 s3, s2  }
0x8d: {  	s2 =	sadd.s32 s2, s17  }
0x8e: {  	[smem:$0x3FC6] =	sst s2  }
0x8f: {  	_ = 	snop  }
0x90: {  	s2 =	sld [smem:$0x3FC8]  }
0x91: {  	s18 =	sld [smem:$0x3FD0];
	(tm) =	ssettm $0x1  }
0x92: {  	s4 =	sld [smem:$0x3FFB];
	_ =	sdelay $0x3  }
0x93: {  	_ =	strace s4  }
0x94: {  	s4 =	sld [smem:$0x3FFC];
	_ =	sdelay $0x3  }
0x95: {  	_ =	strace s4  }
0x96: {  	s4 =	sld [smem:$0x3FFD];
	_ =	sdelay $0x3  }
0x97: {  	_ =	strace s4  }
0x98: {  	_ =	strace $0x8FFFFFFF  }
0x99: {  	s19 =	sld [smem:$0x3FDB];
	_ =	sdelay $0x1  }
0x9a: {  	s5 =	simm.s32 $_scs_section_size  }
0x9b: {  	s6 =	simm.s32 $_size__tile_overlayer_lowered;
	s7 =	simm.s32 $_tile_overlayer_lowered  }
0x9c: {  	s22 =	simm.s32 $0x1BFF;
	s21 =	sshll.u32 s7, $0x1;
	s4 =	sadd.s32 s5, s19  }
0x9d: {  	s8 =	simm.s32 $0x0;
	s20 =	sshll.u32 s6, $0x1;
	s6 =	sadd.s32 s21, s4  }
0x9e: {  	[timem:s8], [sflag:s22] =	dma.local [hbm:s6], s20  }
0x9f: {  	_ =	swait.ge [sflag:s22], s20  }
0xa0: {  	s5 =	ssub.s32 $0x0, s20;
	[sflag:s22] =	ssyncset.done $0x0  }
0xa1: {  	[sflag:s22] =	ssyncadd.s32 s5;
	_ =	sdelay $0x1  }
0xa2: {  	s23 =	simm.s32 $0x1B8B  }
0xa3: {  	_ =	swait.ge [sflag:s23], $0x1  }
0xa4: {  	[sflag:s23] =	ssyncset.done $0x0  }
0xa5: {  	s25 =	simm.s32 $0x1B8E;
	s24 =	sld [smem:$0x3FFE];
	[sflag:s23] =	ssyncadd.s32 $0xFFFFFFFF  }
0xa6: {  	s26 =	simm.s32 $execute0_lowered;
	[smem:$0x3FD2] =	sst s25  }
0xa7: {  	s6 =	sshll.u32 s26, $0x1;
	_ =	strace $0x80000046;
	[dreg:$0x1] =	wrdreg $0xFFFFFFFF  }
0xa8: {  	s28 =	simm.s32 $_size_execute0_lowered;
	s4 =	sadd.s32 s4, s6;
	[dreg:$0x0] =	wrdreg $0x0  }
0xa9: {  	s6 =	sshll.u32 s28, $0x1;
	[dreg:$0x2] =	wrdreg s4  }
0xaa: {  	[dreg:$0x3] =	wrdreg s6  }
0xab: {  	[dreg:$0x4] =	wrdreg $0xC0  }
0xac: {  	_ =	task [dreg:s8], $0x5FFFF  }
0xad: {  	[dreg:$0x1] =	wrdreg $0xFFFFFFFF  }
0xae: {  	[dreg:$0x0] =	wrdreg $0x60  }
0xaf: {  	[dreg:$0x2] =	wrdreg s24  }
0xb0: {  	[dreg:$0x3] =	wrdreg s2  }
0xb1: {  	[dreg:$0x4] =	wrdreg s18  }
0xb2: {  	[dreg:$0x5] =	wrdreg $0x9  }
0xb3: {  	_ =	task.clear_ibuf [dreg:s8], $0x6FFFF;
	_ =	strace $0x90000046  }
0xb4: {  	s29 =	simm.s32 $0x9;
	_ =	strace $0x80000048  }
0xb5: {  	_ =	swait.ge [sflag:s29], $0x1  }
0xb6: {  	[sflag:s29] =	ssyncadd.s32 $0xFFFFFFFF  }
0xb7: {  	_ =	strace $0x90000048  }
0xb8: {  	_ =	sfence  }
0xb9: {  	s30 =	sld [smem:$0x0];
	_ =	sdelay $0x2  }
0xba: {  	s31 =	sshll.u32 s1, $0xD;
	s1 =	sshrl.u32 s1, $0x2  }
0xbb: {  	s3 =	sand.u32 $0x4000, s31;
	s1 =	sadd.s32 s1, s30  }
0xbc: {  	s0 =	sor.u32 s3, s0;
	s1 =	sshll.u32 s1, $0x11  }
0xbd: {  	s0 =	sor.u32 s1, s0  }
0xbe: {  	s0 =	sadd.s32 $0x8F2B, s0  }
0xbf: {  	[sflag:s0] =	ssyncadd.remote.s32 $0x1  }
0xc0: {  	_ =	sfence.sel $0xFFFF  }
0xc1: {  	[dreg:$0x0] =	wrdreg $0xFFFFFFFF;
	(pc) =	sbr.abs _section_cstart, $3  }
0xc2: {  	[dreg:$0x1] =	wrdreg $0xFFFFFFFF  }
0xc3: {  	_ =	task.clear_ibuf [dreg:s8], $0x2FFFF;
	_ =	strace $0x9FFFFFFF  }
0xc4: {  	(tm) =	ssettm $0x7FFFFFFF  }
0xc5: {  	_ =	shalt  }
tec
execute0_lowered:
.L_overlay_start_1:
0x0: {  	(tag) =	ssettag $0x1  }
0x1: {  	s0 =	rddreg [dreg:$0x0];
	s1 =	srdreg.scid  }
0x2: {  	s9 =	stileid.u32;
	s2 =	rddreg [dreg:$0x1]  }
0x3: {  	s4 =	rddreg [dreg:$0x2];
	s12 =	simm.s32 $0x80;
	s13 =	simm.s32 $0x6400  }
0x4: {  	s14 =	simm.s32 $0xA400;
	s16 =	simm.s32 $0xE400;
	s6 =	smul.u32 $0x640000, s9  }
0x5: {  	s17 =	simm.s32 $0x12400;
	s1 =	sand.u32 $0x1, s1;
	s20 =	smul.u32 $0xC8000, s9  }
0x6: {  	s18 =	simm.s32 $0x1;
	s3 =	sshll.u32 s9, $0x1;
	s8 =	smul.u32 $0x320000, s1  }
0x7: {  	s30 =	simm.s32 $0x0;
	s5 =	sor.u32 s1, s3;
	s21 =	smul.u32 $0x64000, s1  }
0x8: {  	s3 =	simm.s32 $0x0;
	s7 =	ssub.s32 $0x2, s1;
	s5 =	smul.u32 $0x6400, s5  }
0x9: {  	[smem:$0x7FF] =	sst s3;
	s19 =	sshrl.u32 s7, $0x1;
	s23 =	sadd.s32 s20, s4  }
0xa: {  	s20 =	simm.s32 $0x2;
	_ =	strace $0x80000047;
	s8 =	sadd.s32 s8, s6  }
0xb: {  	s5 =	sshrl.u32 s5, $0x3;
	s22 =	sor.u32 $0x10000, s8;
	s25 =	sor.u32 $0xC000, s8  }
0xc: {  	s26 =	sor.u32 $0x8000, s8;
	s28 =	sor.u32 $0x4000, s8;
	s0 =	sadd.s32 s5, s0  }
0xd: {  	s5 =	ssub.s32 s7, s19;
	s1 =	sshrl.u32 s22, $0x3;
	s29 =	sshrl.u32 s26, $0x3  }
0xe: {  	s31 =	sshrl.u32 s28, $0x3;
	s19 =	simm.s32 $0x16400;
	s0 =	sadd.s32 $0x400, s0  }
0xf: {  	s22 =	simm.s32 $0x3;
	s5 =	smax.u32 s5, $0x1;
	[dreg:$0x4] =	wrdreg s0  }
0x10: {  	s26 =	simm.s32 $0x5;
	s24 =	sadd.s32 s1, s4;
	[dreg:$0x5] =	wrdreg s5  }
0x11: {  	s9 =	sadd.s32 s29, s4;
	s0 =	sadd.s32 s21, s23;
	[dreg:$0x7] =	wrdreg s24  }
0x12: {  	s10 =	sadd.s32 s31, s4;
	[dreg:$0x6] =	wrdreg s0;
	s0 =	sshrl.u32 s25, $0x3  }
0x13: {  	s21 =	simm.s32 $0x6;
	s23 =	simm.s32 $0x7;
	s0 =	sadd.s32 s0, s4  }
0x14: {  	s24 =	simm.s32 $0x4;
	s25 =	simm.s32 $0x8;
	[dreg:$0x8] =	wrdreg s0  }
.LBB2_1:
0x15: {  	s0 =	rddreg [dreg:$0x4];
	s11 =	simm.s32 $0xB  }
0x16: {  	[tilespmem:s3], [sflag:$0xB] =	stream.linear.gather [hbm4b:s0+s3], $0x6400, $0x38;
	[tilespmem:$0x1A400] =	vst v63  }
0x17: {  	_ =	swait.ge [sflag:s11], $0x6400  }
0x18: {  	[sflag:s11] =	ssyncset.done $0x0  }
0x19: {  	[sflag:s11] =	ssyncadd.s32 $0xFFFF9C00  }
0x1a: {  	[tilespmem:s13], [sflag:$0x1] =	stream.indirect.gather [hbm4b:s2+s12], $0x80, s3, s12, $0xb8;
	[tilespmem:$0x1A400] =	vst v63  }
0x1b: {  	p0 =	por $0x1, $0x1  }
0x1c: {  	[tilespmem:s14], [sflag:$0x2] =	stream.indirect.gather [hbm4b:s2+s12], $0x80, s12, s12, $0xb8;
	[tilespmem:$0x1A400] =	vst v63  }
0x1d: {  	s15 =	simm.s32 $0x100;
	s0 =	simm.s32 @!p0 $0x9  }
0x1e: {  	[tilespmem:s16], [sflag:$0x3] =	stream.indirect.gather [hbm4b:s2+s12], $0x80, s15, s12, $0xb8;
	[tilespmem:$0x1A400] =	vst v63  }
0x1f: {  	_ =	swait.ge @!p0 [sflag:s0], $0x4000  }
0x20: {  	[sflag:s0] =	ssyncset.done @!p0 $0x0  }
0x21: {  	s28 =	simm.s32 $0x180;
	[sflag:s0] =	ssyncadd.s32 @!p0 $0xFFFFC000  }
0x22: {  	[tilespmem:s17], [sflag:$0x4] =	stream.indirect.gather [hbm4b:s2+s12], $0x80, s28, s12, $0xb8;
	[tilespmem:$0x1A400] =	vst v63  }
0x23: {  	_ =	swait.ge [sflag:s18], $0x4000  }
0x24: {  	[sflag:s18] =	ssyncset.done $0x0  }
0x25: {  	s0 =	simm.s32 @!p0 $0xA;
	s6 =	rddreg [dreg:$0x6];
	[sflag:s18] =	ssyncadd.s32 $0xFFFFC000  }
0x26: {  	[hbm4b:s6+s3] =	stream.linear.scatter [tilespmem:s13], [sflag:$0x6], $0x4000, $0x38;
	[tilespmem:$0x1A400] =	vst v63  }
0x27: {  	_ =	swait.ge @!p0 [sflag:s0], $0x4000  }
0x28: {  	[sflag:s0] =	ssyncset.done @!p0 $0x0  }
0x29: {  	s29 =	simm.s32 $0x200;
	[sflag:s0] =	ssyncadd.s32 @!p0 $0xFFFFC000  }
0x2a: {  	[tilespmem:s19], [sflag:$0x5] =	stream.indirect.gather [hbm4b:s2+s12], $0x80, s29, s12, $0xb8;
	[tilespmem:$0x1A400] =	vst v63  }
0x2b: {  	_ =	swait.ge [sflag:s20], $0x4000  }
0x2c: {  	[sflag:s20] =	ssyncset.done $0x0  }
0x2d: {  	[sflag:s20] =	ssyncadd.s32 $0xFFFFC000  }
0x2e: {  	[hbm4b:s10+s3] =	stream.linear.scatter [tilespmem:s14], [sflag:$0x7], $0x4000, $0x38;
	[tilespmem:$0x1A400] =	vst v63  }
0x2f: {  	p0 =	por $0x0, $0x0;
	_ =	swait.ge [sflag:s21], $0x4000  }
0x30: {  	s0 =	simm.s32 @!p0 $0x6400;
	[sflag:s21] =	ssyncset.done $0x0  }
0x31: {  	s1 =	simm.s32 @!p0 $0x280;
	s7 =	simm.s32 @!p0 $0x80;
	[sflag:s21] =	ssyncadd.s32 $0xFFFFC000  }
0x32: {  	[tilespmem:s0], [sflag:$0x1] =	stream.indirect.gather @!p0 [hbm4b:s2+s7], $0x80, s1, s7, $0xb8;
	[tilespmem:$0x1A400] =	vst v63  }
0x33: {  	_ =	swait.ge [sflag:s22], $0x4000  }
0x34: {  	[sflag:s22] =	ssyncset.done $0x0  }
0x35: {  	[sflag:s22] =	ssyncadd.s32 $0xFFFFC000  }
0x36: {  	[hbm4b:s9+s3] =	stream.linear.scatter [tilespmem:s16], [sflag:$0x8], $0x4000, $0x38;
	[tilespmem:$0x1A400] =	vst v63  }
0x37: {  	_ =	swait.ge [sflag:s23], $0x4000  }
0x38: {  	[sflag:s23] =	ssyncset.done $0x0  }
0x39: {  	s0 =	simm.s32 @!p0 $0x300;
	s1 =	simm.s32 @!p0 $0xA400;
	[sflag:s23] =	ssyncadd.s32 $0xFFFFC000  }
0x3a: {  	[tilespmem:s1], [sflag:$0x2] =	stream.indirect.gather @!p0 [hbm4b:s2+s7], $0x80, s0, s7, $0xb8;
	[tilespmem:$0x1A400] =	vst v63  }
0x3b: {  	_ =	swait.ge [sflag:s24], $0x4000  }
0x3c: {  	[sflag:s24] =	ssyncset.done $0x0  }
0x3d: {  	s8 =	rddreg [dreg:$0x8];
	[sflag:s24] =	ssyncadd.s32 $0xFFFFC000  }
0x3e: {  	[hbm4b:s8+s3] =	stream.linear.scatter [tilespmem:s17], [sflag:$0x9], $0x4000, $0x38;
	[tilespmem:$0x1A400] =	vst v63  }
0x3f: {  	_ =	swait.ge [sflag:s25], $0x4000  }
0x40: {  	s4 =	simm.s32 $0xA00;
	s5 =	simm.s32 $0x1400;
	[sflag:s25] =	ssyncset.done $0x0  }
0x41: {  	s11 =	simm.s32 @!p0 $0xE400;
	s1 =	simm.s32 @!p0 $0x380;
	[sflag:s25] =	ssyncadd.s32 $0xFFFFC000  }
0x42: {  	[tilespmem:s11], [sflag:$0x3] =	stream.indirect.gather @!p0 [hbm4b:s2+s7], $0x80, s1, s7, $0xb8;
	[tilespmem:$0x1A400] =	vst v63  }
0x43: {  	p1 =	por $0x0, $0x0;
	s15 =	sadd.s32 $0x2800, s10;
	_ =	swait.ge [sflag:s26], $0x4000  }
0x44: {  	s0 =	sadd.s32 $0x2800, s9;
	s1 =	sadd.s32 $0x2800, s8;
	s7 =	rddreg [dreg:$0x7]  }
0x45: {  	s11 =	sadd.s32 $0x2800, s6;
	[sflag:s26] =	ssyncset.done $0x0;
	s31 =	sadd.s32 $0x2800, s7  }
.LBB2_2:
0x46: {  	s29 =	simm.s32 @!p1 $0x9  }
0x47: {  	[sflag:s26] =	ssyncadd.s32 $0xFFFFC000;
	s6 =	smov.u32 s5;
	s5 =	sadd.s32 $0xA00, s5  }
0x48: {  	[hbm4b:s7+s3] =	stream.linear.scatter [tilespmem:s19], [sflag:$0xA], $0x4000, $0x38;
	[tilespmem:$0x1A400] =	vst v63  }
0x49: {  	p0 =	sne.s32 s5, $0x19000;
	s7 =	smov.u32 s31;
	_ =	swait.ge @!p1 [sflag:s29], $0x4000  }
0x4a: {  	s28 =	sshra.s32 s4, $0x2;
	[sflag:s29] =	ssyncset.done @!p1 $0x0  }
0x4b: {  	[sflag:s29] =	ssyncadd.s32 @!p1 $0xFFFFC000;
	s29 =	sadd.s32 $0x180, s28  }
0x4c: {  	[tilespmem:s17], [sflag:$0x4] =	stream.indirect.gather [hbm4b:s2+s12], $0x80, s29, s12, $0xb8;
	[tilespmem:$0x1A400] =	vst v63  }
0x4d: {  	_ =	swait.ge [sflag:s18], $0x4000  }
0x4e: {  	[sflag:s18] =	ssyncset.done $0x0  }
0x4f: {  	s29 =	simm.s32 @!p1 $0xA;
	[sflag:s18] =	ssyncadd.s32 $0xFFFFC000  }
0x50: {  	[hbm4b:s11+s3] =	stream.linear.scatter [tilespmem:s13], [sflag:$0x6], $0x4000, $0x38;
	[tilespmem:$0x1A400] =	vst v63  }
0x51: {  	_ =	swait.ge @!p1 [sflag:s29], $0x4000  }
0x52: {  	[sflag:s29] =	ssyncset.done @!p1 $0x0  }
0x53: {  	s28 =	sadd.s32 $0x200, s28;
	[sflag:s29] =	ssyncadd.s32 @!p1 $0xFFFFC000  }
0x54: {  	[tilespmem:s19], [sflag:$0x5] =	stream.indirect.gather [hbm4b:s2+s12], $0x80, s28, s12, $0xb8;
	[tilespmem:$0x1A400] =	vst v63  }
0x55: {  	_ =	swait.ge [sflag:s20], $0x4000  }
0x56: {  	[sflag:s20] =	ssyncset.done $0x0  }
0x57: {  	[sflag:s20] =	ssyncadd.s32 $0xFFFFC000  }
0x58: {  	[hbm4b:s15+s3] =	stream.linear.scatter [tilespmem:s14], [sflag:$0x7], $0x4000, $0x38;
	[tilespmem:$0x1A400] =	vst v63  }
0x59: {  	p1 =	seq.s32 s4, $0x18600;
	_ =	swait.ge [sflag:s21], $0x4000  }
0x5a: {  	s4 =	sshra.s32 @!p1 s4, $0x2;
	s28 =	simm.s32 @!p1 $0x6400;
	[sflag:s21] =	ssyncset.done $0x0  }
0x5b: {  	s8 =	simm.s32 @!p1 $0x80;
	s29 =	sadd.s32 @!p1 $0x280, s4;
	[sflag:s21] =	ssyncadd.s32 $0xFFFFC000  }
0x5c: {  	[tilespmem:s28], [sflag:$0x1] =	stream.indirect.gather @!p1 [hbm4b:s2+s8], $0x80, s29, s8, $0xb8;
	[tilespmem:$0x1A400] =	vst v63  }
0x5d: {  	s28 =	sadd.s32 @!p1 $0x300, s4;
	s29 =	sadd.s32 @!p1 $0x380, s4;
	_ =	swait.ge [sflag:s22], $0x4000  }
0x5e: {  	s4 =	smov.u32 s6;
	[sflag:s22] =	ssyncset.done $0x0  }
0x5f: {  	[sflag:s22] =	ssyncadd.s32 $0xFFFFC000  }
0x60: {  	[hbm4b:s0+s3] =	stream.linear.scatter [tilespmem:s16], [sflag:$0x8], $0x4000, $0x38;
	[tilespmem:$0x1A400] =	vst v63  }
0x61: {  	_ =	swait.ge [sflag:s23], $0x4000  }
0x62: {  	[sflag:s23] =	ssyncset.done $0x0  }
0x63: {  	s6 =	simm.s32 @!p1 $0xA400;
	[sflag:s23] =	ssyncadd.s32 $0xFFFFC000  }
0x64: {  	[tilespmem:s6], [sflag:$0x2] =	stream.indirect.gather @!p1 [hbm4b:s2+s8], $0x80, s28, s8, $0xb8;
	[tilespmem:$0x1A400] =	vst v63  }
0x65: {  	_ =	swait.ge [sflag:s24], $0x4000  }
0x66: {  	[sflag:s24] =	ssyncset.done $0x0  }
0x67: {  	[sflag:s24] =	ssyncadd.s32 $0xFFFFC000  }
0x68: {  	[hbm4b:s1+s3] =	stream.linear.scatter [tilespmem:s17], [sflag:$0x9], $0x4000, $0x38;
	[tilespmem:$0x1A400] =	vst v63  }
0x69: {  	_ =	swait.ge [sflag:s25], $0x4000  }
.Ltmp0:
0x6a: {  	s15 =	sadd.s32 $0x2800, s15;
	[sflag:s25] =	ssyncset.done $0x0;
	(pc) =	sbr.rel @p0 .LBB2_2-.Ltmp0, $4  }
0x6b: {  	s0 =	sadd.s32 $0x2800, s0;
	s6 =	simm.s32 @!p1 $0xE400;
	[sflag:s25] =	ssyncadd.s32 $0xFFFFC000  }
0x6c: {  	[tilespmem:s6], [sflag:$0x3] =	stream.indirect.gather @!p1 [hbm4b:s2+s8], $0x80, s29, s8, $0xb8;
	[tilespmem:$0x1A400] =	vst v63  }
0x6d: {  	s31 =	sadd.s32 $0x2800, s31;
	s1 =	sadd.s32 $0x2800, s1;
	_ =	swait.ge [sflag:s26], $0x4000  }
0x6e: {  	s11 =	sadd.s32 $0x2800, s11;
	p1 =	seq.s32 s4, $0x0;
	[sflag:s26] =	ssyncset.done $0x0  }
0x6f: {  	s5 =	simm.s32 @!p1 $0x9;
	[sflag:s26] =	ssyncadd.s32 $0xFFFFC000  }
0x70: {  	[hbm4b:s7+s3] =	stream.linear.scatter [tilespmem:s19], [sflag:$0xA], $0x4000, $0x38;
	[tilespmem:$0x1A400] =	vst v63  }
0x71: {  	_ =	swait.ge @!p1 [sflag:s5], $0x4000  }
0x72: {  	s6 =	sshra.s32 s4, $0x2;
	[sflag:s5] =	ssyncset.done @!p1 $0x0  }
0x73: {  	s8 =	sadd.s32 $0x180, s6;
	[sflag:s5] =	ssyncadd.s32 @!p1 $0xFFFFC000  }
0x74: {  	[tilespmem:s17], [sflag:$0x4] =	stream.indirect.gather [hbm4b:s2+s12], $0x80, s8, s12, $0xb8;
	[tilespmem:$0x1A400] =	vst v63  }
0x75: {  	_ =	swait.ge [sflag:s18], $0x4000  }
0x76: {  	[sflag:s18] =	ssyncset.done $0x0  }
0x77: {  	s5 =	simm.s32 @!p1 $0xA;
	[sflag:s18] =	ssyncadd.s32 $0xFFFFC000  }
0x78: {  	[hbm4b:s11+s3] =	stream.linear.scatter [tilespmem:s13], [sflag:$0x6], $0x4000, $0x38;
	[tilespmem:$0x1A400] =	vst v63  }
0x79: {  	_ =	swait.ge @!p1 [sflag:s5], $0x4000  }
0x7a: {  	[sflag:s5] =	ssyncset.done @!p1 $0x0  }
0x7b: {  	s11 =	sadd.s32 $0x200, s6;
	[sflag:s5] =	ssyncadd.s32 @!p1 $0xFFFFC000  }
0x7c: {  	[tilespmem:s19], [sflag:$0x5] =	stream.indirect.gather [hbm4b:s2+s12], $0x80, s11, s12, $0xb8;
	[tilespmem:$0x1A400] =	vst v63  }
0x7d: {  	_ =	swait.ge [sflag:s20], $0x4000  }
0x7e: {  	[sflag:s20] =	ssyncset.done $0x0  }
0x7f: {  	[sflag:s20] =	ssyncadd.s32 $0xFFFFC000  }
0x80: {  	[hbm4b:s15+s3] =	stream.linear.scatter [tilespmem:s14], [sflag:$0x7], $0x4000, $0x38;
	[tilespmem:$0x1A400] =	vst v63  }
0x81: {  	p0 =	seq.s32 s4, $0x18600;
	_ =	swait.ge [sflag:s21], $0x4000  }
0x82: {  	s4 =	sshra.s32 @!p0 s4, $0x2;
	s7 =	simm.s32 @!p0 $0x80;
	[sflag:s21] =	ssyncset.done $0x0  }
0x83: {  	s6 =	sadd.s32 @!p0 $0x280, s4;
	s5 =	simm.s32 @!p0 $0x6400;
	[sflag:s21] =	ssyncadd.s32 $0xFFFFC000  }
0x84: {  	[tilespmem:s5], [sflag:$0x1] =	stream.indirect.gather @!p0 [hbm4b:s2+s7], $0x80, s6, s7, $0xb8;
	[tilespmem:$0x1A400] =	vst v63  }
0x85: {  	_ =	swait.ge [sflag:s22], $0x4000  }
0x86: {  	[sflag:s22] =	ssyncset.done $0x0  }
0x87: {  	[sflag:s22] =	ssyncadd.s32 $0xFFFFC000  }
0x88: {  	[hbm4b:s0+s3] =	stream.linear.scatter [tilespmem:s16], [sflag:$0x8], $0x4000, $0x38;
	[tilespmem:$0x1A400] =	vst v63  }
0x89: {  	_ =	swait.ge [sflag:s23], $0x4000  }
0x8a: {  	[sflag:s23] =	ssyncset.done $0x0  }
0x8b: {  	s5 =	simm.s32 @!p0 $0xA400;
	s0 =	sadd.s32 @!p0 $0x300, s4;
	[sflag:s23] =	ssyncadd.s32 $0xFFFFC000  }
0x8c: {  	[tilespmem:s5], [sflag:$0x2] =	stream.indirect.gather @!p0 [hbm4b:s2+s7], $0x80, s0, s7, $0xb8;
	[tilespmem:$0x1A400] =	vst v63  }
0x8d: {  	_ =	swait.ge [sflag:s24], $0x4000  }
0x8e: {  	[sflag:s24] =	ssyncset.done $0x0  }
0x8f: {  	[sflag:s24] =	ssyncadd.s32 $0xFFFFC000  }
0x90: {  	[hbm4b:s1+s3] =	stream.linear.scatter [tilespmem:s17], [sflag:$0x9], $0x4000, $0x38;
	[tilespmem:$0x1A400] =	vst v63  }
0x91: {  	_ =	swait.ge [sflag:s25], $0x4000  }
0x92: {  	[sflag:s25] =	ssyncset.done $0x0  }
0x93: {  	s0 =	sadd.s32 @!p0 $0x380, s4;
	s1 =	simm.s32 @!p0 $0xE400;
	[sflag:s25] =	ssyncadd.s32 $0xFFFFC000  }
0x94: {  	[tilespmem:s1], [sflag:$0x3] =	stream.indirect.gather @!p0 [hbm4b:s2+s7], $0x80, s0, s7, $0xb8;
	[tilespmem:$0x1A400] =	vst v63  }
0x95: {  	_ =	swait.ge [sflag:s26], $0x4000  }
0x96: {  	[sflag:s26] =	ssyncset.done $0x0  }
0x97: {  	s28 =	simm.s32 $0x9;
	[sflag:s26] =	ssyncadd.s32 $0xFFFFC000  }
0x98: {  	[hbm4b:s31+s3] =	stream.linear.scatter [tilespmem:s19], [sflag:$0xA], $0x4000, $0x38;
	[tilespmem:$0x1A400] =	vst v63  }
0x99: {  	_ =	swait.ge [sflag:s28], $0x4000  }
0x9a: {  	[sflag:s28] =	ssyncset.done $0x0  }
0x9b: {  	s29 =	simm.s32 $0xA;
	[sflag:s28] =	ssyncadd.s32 $0xFFFFC000  }
0x9c: {  	_ =	swait.ge [sflag:s29], $0x4000  }
0x9d: {  	s30 =	sadd.s32 $0x1, s30;
	s31 =	rddreg [dreg:$0x5]  }
0x9e: {  	p0 =	sne.s32 s30, s31  }
.Ltmp1:
0x9f: {  	_ = 	snop;
	(pc) =	sbr.rel @p0 .LBB2_1-.Ltmp1, $3  }
0xa0: {  	_ =	sdelay $0x1  }
0xa1: {  	[sflag:s29] =	ssyncset.done $0x0  }
0xa2: {  	[sflag:s29] =	ssyncadd.s32 $0xFFFFC000  }
0xa3: {  	_ =	sfence.sel $0x180000  }
0xa4: {  	[bflag:$0x0] =	sbarrier.arrive $0xFFFF  }
0xa5: {  	_ =	strace $0x90000047  }
0xa6: {  	s0 =	stileid.u32;
	[bflag:$0x2] =	sbarrier.arrive $0xFFFF  }
0xa7: {  	p0 =	sne.s32 s0, $0x0;
	s0 =	rddreg [dreg:$0x3]  }
0xa8: {  	s0 =	sadd.s32 @!p0 $0x100000, s0  }
0xa9: {  	[sflag:s0] =	ssyncadd.tile.s32 @!p0 $0x1;
	_ =	shalt  }
.Lfunc_end2:
_tile_overlayer_lowered:
.L_overlay_start_2:
0xaa: {  	(tag) =	ssettag $0x2  }
0xab: {  	s0 =	rddreg [dreg:$0x0];
	s2 =	stileid.u32  }
0xac: {  	s1 =	rddreg [dreg:$0x1];
	p0 =	sne.s32 s2, $0x0  }
0xad: {  	s3 =	rddreg [dreg:$0x2];
	[bflag:$0x3] =	sbarrier.arrive $0xFFFF;
	s2 =	simm.s32 @!p0 $0x1C0B  }
0xae: {  	[timem:s3], [sflag:s2] =	dma.local @!p0 [hbm:s0], s1  }
0xaf: {  	s0 =	simm.s32 @!p0 $0xB  }
0xb0: {  	_ =	swait.ge @!p0 [sflag:s0], s1  }
0xb1: {  	s1 =	ssub.s32 @!p0 $0x0, s1;
	[sflag:s0] =	ssyncset.done @!p0 $0x0  }
0xb2: {  	[sflag:s0] =	ssyncadd.s32 @!p0 s1  }
0xb3: {  	[bflag:$0x3] =	sbarrier.arrive $0xFFFF  }
0xb4: {  	_ =	shalt  }

</sc_bundles>
